<compile_context>
chip_gen: v7x
topology: tpu7x:2x2x1
jax: 0.10.2.dev20260603
libtpu: 0.0.44.dev20260713+nightly
codegen_flags: <defaults>
</compile_context>

<pallas_src>
import functools

import jax
import jax.numpy as jnp
from jax import lax
from jax.experimental import pallas as pl
from jax.experimental.pallas import tpu as pltpu
from jax.experimental.pallas import tpu_sc as plsc

DIM = 128
NC = 2
NS = 16
NW = NC * NS
NBUF = 5


@functools.lru_cache(maxsize=None)
def _make_kernel(B, S):
    b_per_w = B // NW
    assert S % NBUF == 0
    mesh = plsc.VectorSubcoreMesh(core_axis_name="c", subcore_axis_name="s")

    @functools.partial(
        pl.kernel,
        out_type=jax.ShapeDtypeStruct((S, B, DIM), jnp.float32),
        mesh=mesh,
        scratch_types=[
            pltpu.VMEM((S, 1, b_per_w), jnp.int32),
            [pltpu.VMEM((b_per_w, DIM), jnp.float32) for _ in range(NBUF)],
            [pltpu.SemaphoreType.DMA for _ in range(NBUF)],
            [pltpu.SemaphoreType.DMA for _ in range(NBUF)],
        ],
    )
    def body(idx_hbm, table_hbm, out_hbm, idx_v, bufs, gsems, osems):
        wid = lax.axis_index("s") * NC + lax.axis_index("c")
        b0 = wid * b_per_w
        pltpu.sync_copy(idx_hbm.at[:, pl.ds(wid, 1)], idx_v)

        for k in range(NBUF):
            pltpu.async_copy(table_hbm.at[idx_v.at[k, 0]], bufs[k], gsems[k])

        def group(g, carry):
            for k in range(NBUF):
                s = g * NBUF + k
                pltpu.make_async_copy(
                    table_hbm.at[idx_v.at[s, 0]], bufs[k], gsems[k]).wait()
                pltpu.async_copy(
                    bufs[k], out_hbm.at[s, pl.ds(b0, b_per_w)], osems[k])
                nxt = s + NBUF

                @pl.when(nxt < S)
                def _():
                    pltpu.make_async_copy(
                        bufs[k], out_hbm.at[s, pl.ds(b0, b_per_w)],
                        osems[k]).wait()
                    pltpu.async_copy(
                        table_hbm.at[idx_v.at[nxt, 0]], bufs[k], gsems[k])

            return carry

        lax.fori_loop(0, S // NBUF, group, 0)

        for k in range(NBUF):
            s = S - NBUF + k
            pltpu.make_async_copy(
                bufs[k], out_hbm.at[s, pl.ds(b0, b_per_w)], osems[k]).wait()

    return body


def kernel(x_word, table):
    B, S = x_word.shape
    b_per_w = B // NW
    idx = x_word.astype(jnp.int32).T.reshape(S, NW, b_per_w)
    out = _make_kernel(B, S)(idx, table)
    return out.transpose(1, 0, 2)

# --- scband reference (transcript-rebuilt; emitter-appended) ---
"""Pipeline reference for scband-word-embedding-30623116821128 (READ-ONLY COPY).

The authoritative reference and input builder live on the scoring server;
editing this copy changes nothing except your own understanding.
"""

import jax, jax.numpy as jnp
import numpy as np

PAD_ID = 0
VOCAB = 100000
DIM = 128

def setup_inputs(seed: int = 0) -> dict:
    key = jax.random.key(seed)
    k1, k2 = jax.random.split(key)
    x_word = jax.random.randint(k1, (4096, 50), 0, VOCAB, dtype=jnp.int64)
    table = jax.random.normal(k2, (VOCAB, DIM), dtype=jnp.float32)
    # padding_idx row is initialized to zeros in nn.Embedding
    table = table.at[PAD_ID].set(0.0)
    return {"x_word": x_word, "table": table}

def reference(x_word, table):
    # nn.Embedding forward: gather rows of the table
    return jnp.take(table, x_word, axis=0)

if __name__ == "__main__":
    import jax
    _d = setup_inputs()
    print(jax.jit(kernel)(*tuple(_d.values())))

</pallas_src>

<mosaic_0001>
#map = affine_map<(d0, d1) -> (0, 0, 0)>
#map1 = affine_map<(d0, d1) -> (0, 0)>
module attributes {stable_mosaic.version = 14 : i64} {
  func.func @body(%arg0: i32, %arg1: i32, %arg2: memref<50x32x128xi32, #tpu.memory_space<hbm>>, %arg3: memref<100000x128xf32, #tpu.memory_space<hbm>>, %arg4: memref<50x4096x128xf32, #tpu.memory_space<hbm>>, %arg5: memref<50x1x128xi32, #tpu.memory_space<vmem>>, %arg6: memref<128x128xf32, #tpu.memory_space<vmem>>, %arg7: memref<128x128xf32, #tpu.memory_space<vmem>>, %arg8: memref<128x128xf32, #tpu.memory_space<vmem>>, %arg9: memref<128x128xf32, #tpu.memory_space<vmem>>, %arg10: memref<128x128xf32, #tpu.memory_space<vmem>>, %arg11: memref<!tpu.dma_semaphore, #tpu.memory_space<semaphore_mem>>, %arg12: memref<!tpu.dma_semaphore, #tpu.memory_space<semaphore_mem>>, %arg13: memref<!tpu.dma_semaphore, #tpu.memory_space<semaphore_mem>>, %arg14: memref<!tpu.dma_semaphore, #tpu.memory_space<semaphore_mem>>, %arg15: memref<!tpu.dma_semaphore, #tpu.memory_space<semaphore_mem>>, %arg16: memref<!tpu.dma_semaphore, #tpu.memory_space<semaphore_mem>>, %arg17: memref<!tpu.dma_semaphore, #tpu.memory_space<semaphore_mem>>, %arg18: memref<!tpu.dma_semaphore, #tpu.memory_space<semaphore_mem>>, %arg19: memref<!tpu.dma_semaphore, #tpu.memory_space<semaphore_mem>>, %arg20: memref<!tpu.dma_semaphore, #tpu.memory_space<semaphore_mem>>) attributes {dimension_semantics = [#tpu.dimension_semantics<core_parallel>, #tpu.dimension_semantics<subcore_parallel>], iteration_bounds = array<i64: 2, 16>, scalar_prefetch = 0 : i64, scratch_operands = 16 : i64, tpu.core_type = #tpu.core_type<sc_vector_subcore>, window_params = [{transform_indices = #map}, {transform_indices = #map1}, {transform_indices = #map}]} {
    %mul3A = arith.constant 2 : i32
    %mul3A_0 = arith.muli %arg1, %mul3A : i32
    %add3A = arith.addi %mul3A_0, %arg0 : i32
    %mul3A_1 = arith.constant 128 : i32
    %mul3A_2 = arith.muli %add3A, %mul3A_1 : i32
    "tpu.region"() ({
      %run_scoped3A = tpu.sem_alloc : memref<!tpu.dma_semaphore, #tpu.memory_space<semaphore_mem>>
      %dma_start3A_81 = arith.constant 0 : i32
      %dma_start3A_82 = arith.constant 0 : i32
      %dma_start3A_83 = tpu.memref_slice %arg2[%dma_start3A_81, %add3A, %dma_start3A_82] : memref<50x32x128xi32, #tpu.memory_space<hbm>> -> memref<50x1x128xi32, #tpu.memory_space<hbm>>
      %dma_start3A_84 = arith.constant 0 : i32
      %dma_start3A_85 = arith.constant 0 : i32
      %dma_start3A_86 = tpu.memref_slice %arg2[%dma_start3A_84, %add3A, %dma_start3A_85] : memref<50x32x128xi32, #tpu.memory_space<hbm>> -> memref<50x1x128xi32, #tpu.memory_space<hbm>>
      tpu.enqueue_dma source(%dma_start3A_86 : memref<50x1x128xi32, #tpu.memory_space<hbm>>) target(%arg5 : memref<50x1x128xi32, #tpu.memory_space<vmem>>) target_semaphore(%run_scoped3A : memref<!tpu.dma_semaphore, #tpu.memory_space<semaphore_mem>>)
      %dma_wait3A_87 = arith.constant 0 : i32
      %dma_wait3A_88 = arith.constant 0 : i32
      %dma_wait3A_89 = tpu.memref_slice %arg2[%dma_wait3A_87, %add3A, %dma_wait3A_88] : memref<50x32x128xi32, #tpu.memory_space<hbm>> -> memref<50x1x128xi32, #tpu.memory_space<hbm>>
      %dma_wait3A_90 = arith.constant 0 : i32
      %dma_wait3A_91 = arith.constant 0 : i32
      %dma_wait3A_92 = tpu.memref_slice %arg2[%dma_wait3A_90, %add3A, %dma_wait3A_91] : memref<50x32x128xi32, #tpu.memory_space<hbm>> -> memref<50x1x128xi32, #tpu.memory_space<hbm>>
      tpu.wait_dma2 semaphore(%run_scoped3A : memref<!tpu.dma_semaphore, #tpu.memory_space<semaphore_mem>>) src(%dma_wait3A_92 : memref<50x1x128xi32, #tpu.memory_space<hbm>>) dst(%arg5 : memref<50x1x128xi32, #tpu.memory_space<vmem>>)
      tpu.yield
    }) : () -> ()
    %dma_start3A = arith.constant 0 : i32
    %dma_start3A_3 = arith.constant 0 : i32
    %dma_start3A_4 = arith.constant 0 : i32
    %dma_start3A_5 = tpu.memref_slice %arg5[%dma_start3A, %dma_start3A_3, %dma_start3A_4] : memref<50x1x128xi32, #tpu.memory_space<vmem>> -> memref<1x1x128xi32, #tpu.memory_space<vmem>>
    %dma_start3A_6 = tpu.memref_squeeze %dma_start3A_5 : memref<1x1x128xi32, #tpu.memory_space<vmem>> -> memref<128xi32, #tpu.memory_space<vmem>>
    %dma_start3A_7 = arith.constant 0 : i32
    %dma_start3A_8 = arith.constant 0 : i32
    %dma_start3A_9 = tpu.memref_slice %arg3[%dma_start3A_7, %dma_start3A_8] : memref<100000x128xf32, #tpu.memory_space<hbm>> -> memref<100000x128xf32, #tpu.memory_space<hbm>>
    tpu.enqueue_indirect_dma source(%dma_start3A_9 : memref<100000x128xf32, #tpu.memory_space<hbm>>) target(%arg6 : memref<128x128xf32, #tpu.memory_space<vmem>>) offsets(%dma_start3A_6 : memref<128xi32, #tpu.memory_space<vmem>>) semaphore(%arg11 : memref<!tpu.dma_semaphore, #tpu.memory_space<semaphore_mem>>)
    %dma_start3A_10 = arith.constant 1 : i32
    %dma_start3A_11 = arith.constant 0 : i32
    %dma_start3A_12 = arith.constant 0 : i32
    %dma_start3A_13 = tpu.memref_slice %arg5[%dma_start3A_10, %dma_start3A_11, %dma_start3A_12] : memref<50x1x128xi32, #tpu.memory_space<vmem>> -> memref<1x1x128xi32, #tpu.memory_space<vmem>>
    %dma_start3A_14 = tpu.memref_squeeze %dma_start3A_13 : memref<1x1x128xi32, #tpu.memory_space<vmem>> -> memref<128xi32, #tpu.memory_space<vmem>>
    %dma_start3A_15 = arith.constant 0 : i32
    %dma_start3A_16 = arith.constant 0 : i32
    %dma_start3A_17 = tpu.memref_slice %arg3[%dma_start3A_15, %dma_start3A_16] : memref<100000x128xf32, #tpu.memory_space<hbm>> -> memref<100000x128xf32, #tpu.memory_space<hbm>>
    tpu.enqueue_indirect_dma source(%dma_start3A_17 : memref<100000x128xf32, #tpu.memory_space<hbm>>) target(%arg7 : memref<128x128xf32, #tpu.memory_space<vmem>>) offsets(%dma_start3A_14 : memref<128xi32, #tpu.memory_space<vmem>>) semaphore(%arg12 : memref<!tpu.dma_semaphore, #tpu.memory_space<semaphore_mem>>)
    %dma_start3A_18 = arith.constant 2 : i32
    %dma_start3A_19 = arith.constant 0 : i32
    %dma_start3A_20 = arith.constant 0 : i32
    %dma_start3A_21 = tpu.memref_slice %arg5[%dma_start3A_18, %dma_start3A_19, %dma_start3A_20] : memref<50x1x128xi32, #tpu.memory_space<vmem>> -> memref<1x1x128xi32, #tpu.memory_space<vmem>>
    %dma_start3A_22 = tpu.memref_squeeze %dma_start3A_21 : memref<1x1x128xi32, #tpu.memory_space<vmem>> -> memref<128xi32, #tpu.memory_space<vmem>>
    %dma_start3A_23 = arith.constant 0 : i32
    %dma_start3A_24 = arith.constant 0 : i32
    %dma_start3A_25 = tpu.memref_slice %arg3[%dma_start3A_23, %dma_start3A_24] : memref<100000x128xf32, #tpu.memory_space<hbm>> -> memref<100000x128xf32, #tpu.memory_space<hbm>>
    tpu.enqueue_indirect_dma source(%dma_start3A_25 : memref<100000x128xf32, #tpu.memory_space<hbm>>) target(%arg8 : memref<128x128xf32, #tpu.memory_space<vmem>>) offsets(%dma_start3A_22 : memref<128xi32, #tpu.memory_space<vmem>>) semaphore(%arg13 : memref<!tpu.dma_semaphore, #tpu.memory_space<semaphore_mem>>)
    %dma_start3A_26 = arith.constant 3 : i32
    %dma_start3A_27 = arith.constant 0 : i32
    %dma_start3A_28 = arith.constant 0 : i32
    %dma_start3A_29 = tpu.memref_slice %arg5[%dma_start3A_26, %dma_start3A_27, %dma_start3A_28] : memref<50x1x128xi32, #tpu.memory_space<vmem>> -> memref<1x1x128xi32, #tpu.memory_space<vmem>>
    %dma_start3A_30 = tpu.memref_squeeze %dma_start3A_29 : memref<1x1x128xi32, #tpu.memory_space<vmem>> -> memref<128xi32, #tpu.memory_space<vmem>>
    %dma_start3A_31 = arith.constant 0 : i32
    %dma_start3A_32 = arith.constant 0 : i32
    %dma_start3A_33 = tpu.memref_slice %arg3[%dma_start3A_31, %dma_start3A_32] : memref<100000x128xf32, #tpu.memory_space<hbm>> -> memref<100000x128xf32, #tpu.memory_space<hbm>>
    tpu.enqueue_indirect_dma source(%dma_start3A_33 : memref<100000x128xf32, #tpu.memory_space<hbm>>) target(%arg9 : memref<128x128xf32, #tpu.memory_space<vmem>>) offsets(%dma_start3A_30 : memref<128xi32, #tpu.memory_space<vmem>>) semaphore(%arg14 : memref<!tpu.dma_semaphore, #tpu.memory_space<semaphore_mem>>)
    %dma_start3A_34 = arith.constant 4 : i32
    %dma_start3A_35 = arith.constant 0 : i32
    %dma_start3A_36 = arith.constant 0 : i32
    %dma_start3A_37 = tpu.memref_slice %arg5[%dma_start3A_34, %dma_start3A_35, %dma_start3A_36] : memref<50x1x128xi32, #tpu.memory_space<vmem>> -> memref<1x1x128xi32, #tpu.memory_space<vmem>>
    %dma_start3A_38 = tpu.memref_squeeze %dma_start3A_37 : memref<1x1x128xi32, #tpu.memory_space<vmem>> -> memref<128xi32, #tpu.memory_space<vmem>>
    %dma_start3A_39 = arith.constant 0 : i32
    %dma_start3A_40 = arith.constant 0 : i32
    %dma_start3A_41 = tpu.memref_slice %arg3[%dma_start3A_39, %dma_start3A_40] : memref<100000x128xf32, #tpu.memory_space<hbm>> -> memref<100000x128xf32, #tpu.memory_space<hbm>>
    tpu.enqueue_indirect_dma source(%dma_start3A_41 : memref<100000x128xf32, #tpu.memory_space<hbm>>) target(%arg10 : memref<128x128xf32, #tpu.memory_space<vmem>>) offsets(%dma_start3A_38 : memref<128xi32, #tpu.memory_space<vmem>>) semaphore(%arg15 : memref<!tpu.dma_semaphore, #tpu.memory_space<semaphore_mem>>)
    %scan3A = arith.constant 0 : i32
    %scan3A_42 = arith.constant 0 : i32
    %scan3A_43 = arith.constant 10 : i32
    %scan3A_44 = arith.addi %scan3A_42, %scan3A_43 : i32
    %scan3A_45 = arith.constant 1 : i32
    scf.for %scan3A_81 = %scan3A_42 to %scan3A_44 step %scan3A_45  : i32 {
      %mul3A_82 = arith.constant 5 : i32
      %mul3A_83 = arith.muli %scan3A_81, %mul3A_82 : i32
      %add3A_84 = arith.constant 0 : i32
      %add3A_85 = arith.addi %mul3A_83, %add3A_84 : i32
      %dma_wait3A_86 = arith.constant 0 : i32
      %dma_wait3A_87 = arith.constant 0 : i32
      %dma_wait3A_88 = tpu.memref_slice %arg5[%add3A_85, %dma_wait3A_86, %dma_wait3A_87] : memref<50x1x128xi32, #tpu.memory_space<vmem>> -> memref<1x1x128xi32, #tpu.memory_space<vmem>>
      %dma_wait3A_89 = tpu.memref_squeeze %dma_wait3A_88 : memref<1x1x128xi32, #tpu.memory_space<vmem>> -> memref<128xi32, #tpu.memory_space<vmem>>
      %dma_wait3A_90 = arith.constant 0 : i32
      %dma_wait3A_91 = arith.constant 0 : i32
      %dma_wait3A_92 = tpu.memref_slice %arg3[%dma_wait3A_90, %dma_wait3A_91] : memref<100000x128xf32, #tpu.memory_space<hbm>> -> memref<100000x128xf32, #tpu.memory_space<hbm>>
      tpu.wait_indirect_dma semaphore(%arg11 : memref<!tpu.dma_semaphore, #tpu.memory_space<semaphore_mem>>) src(%dma_wait3A_92 : memref<100000x128xf32, #tpu.memory_space<hbm>>) dst(%arg6 : memref<128x128xf32, #tpu.memory_space<vmem>>)
      %dma_start3A_93 = arith.constant 0 : i32
      %dma_start3A_94 = tpu.memref_slice %arg4[%add3A_85, %mul3A_2, %dma_start3A_93] : memref<50x4096x128xf32, #tpu.memory_space<hbm>> -> memref<1x128x128xf32, #tpu.memory_space<hbm>>
      %dma_start3A_95 = tpu.memref_squeeze %dma_start3A_94 : memref<1x128x128xf32, #tpu.memory_space<hbm>> -> memref<128x128xf32, #tpu.memory_space<hbm>>
      %dma_start3A_96 = arith.constant 0 : i32
      %dma_start3A_97 = tpu.memref_slice %arg4[%add3A_85, %mul3A_2, %dma_start3A_96] : memref<50x4096x128xf32, #tpu.memory_space<hbm>> -> memref<1x128x128xf32, #tpu.memory_space<hbm>>
      %dma_start3A_98 = tpu.memref_squeeze %dma_start3A_97 : memref<1x128x128xf32, #tpu.memory_space<hbm>> -> memref<128x128xf32, #tpu.memory_space<hbm>>
      tpu.enqueue_dma source(%arg6 : memref<128x128xf32, #tpu.memory_space<vmem>>) target(%dma_start3A_98 : memref<128x128xf32, #tpu.memory_space<hbm>>) target_semaphore(%arg16 : memref<!tpu.dma_semaphore, #tpu.memory_space<semaphore_mem>>)
      %add3A_99 = arith.constant 5 : i32
      %add3A_100 = arith.addi %add3A_85, %add3A_99 : i32
      %lt3A = arith.constant 50 : i32
      %lt3A_101 = arith.cmpi slt, %add3A_100, %lt3A : i32
      %convert_element_type3A = arith.extui %lt3A_101 : i1 to i32
      %cond3A = arith.constant 0 : i32
      %cond3A_102 = arith.cmpi ne, %convert_element_type3A, %cond3A : i32
      scf.if %cond3A_102 {
        %dma_wait3A_199 = arith.constant 0 : i32
        %dma_wait3A_200 = tpu.memref_slice %arg4[%add3A_85, %mul3A_2, %dma_wait3A_199] : memref<50x4096x128xf32, #tpu.memory_space<hbm>> -> memref<1x128x128xf32, #tpu.memory_space<hbm>>
        %dma_wait3A_201 = tpu.memref_squeeze %dma_wait3A_200 : memref<1x128x128xf32, #tpu.memory_space<hbm>> -> memref<128x128xf32, #tpu.memory_space<hbm>>
        %dma_wait3A_202 = arith.constant 0 : i32
        %dma_wait3A_203 = tpu.memref_slice %arg4[%add3A_85, %mul3A_2, %dma_wait3A_202] : memref<50x4096x128xf32, #tpu.memory_space<hbm>> -> memref<1x128x128xf32, #tpu.memory_space<hbm>>
        %dma_wait3A_204 = tpu.memref_squeeze %dma_wait3A_203 : memref<1x128x128xf32, #tpu.memory_space<hbm>> -> memref<128x128xf32, #tpu.memory_space<hbm>>
        tpu.wait_dma2 semaphore(%arg16 : memref<!tpu.dma_semaphore, #tpu.memory_space<semaphore_mem>>) src(%arg6 : memref<128x128xf32, #tpu.memory_space<vmem>>) dst(%dma_wait3A_204 : memref<128x128xf32, #tpu.memory_space<hbm>>)
        %dma_start3A_205 = arith.constant 0 : i32
        %dma_start3A_206 = arith.constant 0 : i32
        %dma_start3A_207 = tpu.memref_slice %arg5[%add3A_100, %dma_start3A_205, %dma_start3A_206] : memref<50x1x128xi32, #tpu.memory_space<vmem>> -> memref<1x1x128xi32, #tpu.memory_space<vmem>>
        %dma_start3A_208 = tpu.memref_squeeze %dma_start3A_207 : memref<1x1x128xi32, #tpu.memory_space<vmem>> -> memref<128xi32, #tpu.memory_space<vmem>>
        %dma_start3A_209 = arith.constant 0 : i32
        %dma_start3A_210 = arith.constant 0 : i32
        %dma_start3A_211 = tpu.memref_slice %arg3[%dma_start3A_209, %dma_start3A_210] : memref<100000x128xf32, #tpu.memory_space<hbm>> -> memref<100000x128xf32, #tpu.memory_space<hbm>>
        tpu.enqueue_indirect_dma source(%dma_start3A_211 : memref<100000x128xf32, #tpu.memory_space<hbm>>) target(%arg6 : memref<128x128xf32, #tpu.memory_space<vmem>>) offsets(%dma_start3A_208 : memref<128xi32, #tpu.memory_space<vmem>>) semaphore(%arg11 : memref<!tpu.dma_semaphore, #tpu.memory_space<semaphore_mem>>)
      } else {
      }
      %mul3A_103 = arith.constant 5 : i32
      %mul3A_104 = arith.muli %scan3A_81, %mul3A_103 : i32
      %add3A_105 = arith.constant 1 : i32
      %add3A_106 = arith.addi %mul3A_104, %add3A_105 : i32
      %dma_wait3A_107 = arith.constant 0 : i32
      %dma_wait3A_108 = arith.constant 0 : i32
      %dma_wait3A_109 = tpu.memref_slice %arg5[%add3A_106, %dma_wait3A_107, %dma_wait3A_108] : memref<50x1x128xi32, #tpu.memory_space<vmem>> -> memref<1x1x128xi32, #tpu.memory_space<vmem>>
      %dma_wait3A_110 = tpu.memref_squeeze %dma_wait3A_109 : memref<1x1x128xi32, #tpu.memory_space<vmem>> -> memref<128xi32, #tpu.memory_space<vmem>>
      %dma_wait3A_111 = arith.constant 0 : i32
      %dma_wait3A_112 = arith.constant 0 : i32
      %dma_wait3A_113 = tpu.memref_slice %arg3[%dma_wait3A_111, %dma_wait3A_112] : memref<100000x128xf32, #tpu.memory_space<hbm>> -> memref<100000x128xf32, #tpu.memory_space<hbm>>
      tpu.wait_indirect_dma semaphore(%arg12 : memref<!tpu.dma_semaphore, #tpu.memory_space<semaphore_mem>>) src(%dma_wait3A_113 : memref<100000x128xf32, #tpu.memory_space<hbm>>) dst(%arg7 : memref<128x128xf32, #tpu.memory_space<vmem>>)
      %dma_start3A_114 = arith.constant 0 : i32
      %dma_start3A_115 = tpu.memref_slice %arg4[%add3A_106, %mul3A_2, %dma_start3A_114] : memref<50x4096x128xf32, #tpu.memory_space<hbm>> -> memref<1x128x128xf32, #tpu.memory_space<hbm>>
      %dma_start3A_116 = tpu.memref_squeeze %dma_start3A_115 : memref<1x128x128xf32, #tpu.memory_space<hbm>> -> memref<128x128xf32, #tpu.memory_space<hbm>>
      %dma_start3A_117 = arith.constant 0 : i32
      %dma_start3A_118 = tpu.memref_slice %arg4[%add3A_106, %mul3A_2, %dma_start3A_117] : memref<50x4096x128xf32, #tpu.memory_space<hbm>> -> memref<1x128x128xf32, #tpu.memory_space<hbm>>
      %dma_start3A_119 = tpu.memref_squeeze %dma_start3A_118 : memref<1x128x128xf32, #tpu.memory_space<hbm>> -> memref<128x128xf32, #tpu.memory_space<hbm>>
      tpu.enqueue_dma source(%arg7 : memref<128x128xf32, #tpu.memory_space<vmem>>) target(%dma_start3A_119 : memref<128x128xf32, #tpu.memory_space<hbm>>) target_semaphore(%arg17 : memref<!tpu.dma_semaphore, #tpu.memory_space<semaphore_mem>>)
      %add3A_120 = arith.constant 5 : i32
      %add3A_121 = arith.addi %add3A_106, %add3A_120 : i32
      %lt3A_122 = arith.constant 50 : i32
      %lt3A_123 = arith.cmpi slt, %add3A_121, %lt3A_122 : i32
      %convert_element_type3A_124 = arith.extui %lt3A_123 : i1 to i32
      %cond3A_125 = arith.constant 0 : i32
      %cond3A_126 = arith.cmpi ne, %convert_element_type3A_124, %cond3A_125 : i32
      scf.if %cond3A_126 {
        %dma_wait3A_199 = arith.constant 0 : i32
        %dma_wait3A_200 = tpu.memref_slice %arg4[%add3A_106, %mul3A_2, %dma_wait3A_199] : memref<50x4096x128xf32, #tpu.memory_space<hbm>> -> memref<1x128x128xf32, #tpu.memory_space<hbm>>
        %dma_wait3A_201 = tpu.memref_squeeze %dma_wait3A_200 : memref<1x128x128xf32, #tpu.memory_space<hbm>> -> memref<128x128xf32, #tpu.memory_space<hbm>>
        %dma_wait3A_202 = arith.constant 0 : i32
        %dma_wait3A_203 = tpu.memref_slice %arg4[%add3A_106, %mul3A_2, %dma_wait3A_202] : memref<50x4096x128xf32, #tpu.memory_space<hbm>> -> memref<1x128x128xf32, #tpu.memory_space<hbm>>
        %dma_wait3A_204 = tpu.memref_squeeze %dma_wait3A_203 : memref<1x128x128xf32, #tpu.memory_space<hbm>> -> memref<128x128xf32, #tpu.memory_space<hbm>>
        tpu.wait_dma2 semaphore(%arg17 : memref<!tpu.dma_semaphore, #tpu.memory_space<semaphore_mem>>) src(%arg7 : memref<128x128xf32, #tpu.memory_space<vmem>>) dst(%dma_wait3A_204 : memref<128x128xf32, #tpu.memory_space<hbm>>)
        %dma_start3A_205 = arith.constant 0 : i32
        %dma_start3A_206 = arith.constant 0 : i32
        %dma_start3A_207 = tpu.memref_slice %arg5[%add3A_121, %dma_start3A_205, %dma_start3A_206] : memref<50x1x128xi32, #tpu.memory_space<vmem>> -> memref<1x1x128xi32, #tpu.memory_space<vmem>>
        %dma_start3A_208 = tpu.memref_squeeze %dma_start3A_207 : memref<1x1x128xi32, #tpu.memory_space<vmem>> -> memref<128xi32, #tpu.memory_space<vmem>>
        %dma_start3A_209 = arith.constant 0 : i32
        %dma_start3A_210 = arith.constant 0 : i32
        %dma_start3A_211 = tpu.memref_slice %arg3[%dma_start3A_209, %dma_start3A_210] : memref<100000x128xf32, #tpu.memory_space<hbm>> -> memref<100000x128xf32, #tpu.memory_space<hbm>>
        tpu.enqueue_indirect_dma source(%dma_start3A_211 : memref<100000x128xf32, #tpu.memory_space<hbm>>) target(%arg7 : memref<128x128xf32, #tpu.memory_space<vmem>>) offsets(%dma_start3A_208 : memref<128xi32, #tpu.memory_space<vmem>>) semaphore(%arg12 : memref<!tpu.dma_semaphore, #tpu.memory_space<semaphore_mem>>)
      } else {
      }
      %mul3A_127 = arith.constant 5 : i32
      %mul3A_128 = arith.muli %scan3A_81, %mul3A_127 : i32
      %add3A_129 = arith.constant 2 : i32
      %add3A_130 = arith.addi %mul3A_128, %add3A_129 : i32
      %dma_wait3A_131 = arith.constant 0 : i32
      %dma_wait3A_132 = arith.constant 0 : i32
      %dma_wait3A_133 = tpu.memref_slice %arg5[%add3A_130, %dma_wait3A_131, %dma_wait3A_132] : memref<50x1x128xi32, #tpu.memory_space<vmem>> -> memref<1x1x128xi32, #tpu.memory_space<vmem>>
      %dma_wait3A_134 = tpu.memref_squeeze %dma_wait3A_133 : memref<1x1x128xi32, #tpu.memory_space<vmem>> -> memref<128xi32, #tpu.memory_space<vmem>>
      %dma_wait3A_135 = arith.constant 0 : i32
      %dma_wait3A_136 = arith.constant 0 : i32
      %dma_wait3A_137 = tpu.memref_slice %arg3[%dma_wait3A_135, %dma_wait3A_136] : memref<100000x128xf32, #tpu.memory_space<hbm>> -> memref<100000x128xf32, #tpu.memory_space<hbm>>
      tpu.wait_indirect_dma semaphore(%arg13 : memref<!tpu.dma_semaphore, #tpu.memory_space<semaphore_mem>>) src(%dma_wait3A_137 : memref<100000x128xf32, #tpu.memory_space<hbm>>) dst(%arg8 : memref<128x128xf32, #tpu.memory_space<vmem>>)
      %dma_start3A_138 = arith.constant 0 : i32
      %dma_start3A_139 = tpu.memref_slice %arg4[%add3A_130, %mul3A_2, %dma_start3A_138] : memref<50x4096x128xf32, #tpu.memory_space<hbm>> -> memref<1x128x128xf32, #tpu.memory_space<hbm>>
      %dma_start3A_140 = tpu.memref_squeeze %dma_start3A_139 : memref<1x128x128xf32, #tpu.memory_space<hbm>> -> memref<128x128xf32, #tpu.memory_space<hbm>>
      %dma_start3A_141 = arith.constant 0 : i32
      %dma_start3A_142 = tpu.memref_slice %arg4[%add3A_130, %mul3A_2, %dma_start3A_141] : memref<50x4096x128xf32, #tpu.memory_space<hbm>> -> memref<1x128x128xf32, #tpu.memory_space<hbm>>
      %dma_start3A_143 = tpu.memref_squeeze %dma_start3A_142 : memref<1x128x128xf32, #tpu.memory_space<hbm>> -> memref<128x128xf32, #tpu.memory_space<hbm>>
      tpu.enqueue_dma source(%arg8 : memref<128x128xf32, #tpu.memory_space<vmem>>) target(%dma_start3A_143 : memref<128x128xf32, #tpu.memory_space<hbm>>) target_semaphore(%arg18 : memref<!tpu.dma_semaphore, #tpu.memory_space<semaphore_mem>>)
      %add3A_144 = arith.constant 5 : i32
      %add3A_145 = arith.addi %add3A_130, %add3A_144 : i32
      %lt3A_146 = arith.constant 50 : i32
      %lt3A_147 = arith.cmpi slt, %add3A_145, %lt3A_146 : i32
      %convert_element_type3A_148 = arith.extui %lt3A_147 : i1 to i32
      %cond3A_149 = arith.constant 0 : i32
      %cond3A_150 = arith.cmpi ne, %convert_element_type3A_148, %cond3A_149 : i32
      scf.if %cond3A_150 {
        %dma_wait3A_199 = arith.constant 0 : i32
        %dma_wait3A_200 = tpu.memref_slice %arg4[%add3A_130, %mul3A_2, %dma_wait3A_199] : memref<50x4096x128xf32, #tpu.memory_space<hbm>> -> memref<1x128x128xf32, #tpu.memory_space<hbm>>
        %dma_wait3A_201 = tpu.memref_squeeze %dma_wait3A_200 : memref<1x128x128xf32, #tpu.memory_space<hbm>> -> memref<128x128xf32, #tpu.memory_space<hbm>>
        %dma_wait3A_202 = arith.constant 0 : i32
        %dma_wait3A_203 = tpu.memref_slice %arg4[%add3A_130, %mul3A_2, %dma_wait3A_202] : memref<50x4096x128xf32, #tpu.memory_space<hbm>> -> memref<1x128x128xf32, #tpu.memory_space<hbm>>
        %dma_wait3A_204 = tpu.memref_squeeze %dma_wait3A_203 : memref<1x128x128xf32, #tpu.memory_space<hbm>> -> memref<128x128xf32, #tpu.memory_space<hbm>>
        tpu.wait_dma2 semaphore(%arg18 : memref<!tpu.dma_semaphore, #tpu.memory_space<semaphore_mem>>) src(%arg8 : memref<128x128xf32, #tpu.memory_space<vmem>>) dst(%dma_wait3A_204 : memref<128x128xf32, #tpu.memory_space<hbm>>)
        %dma_start3A_205 = arith.constant 0 : i32
        %dma_start3A_206 = arith.constant 0 : i32
        %dma_start3A_207 = tpu.memref_slice %arg5[%add3A_145, %dma_start3A_205, %dma_start3A_206] : memref<50x1x128xi32, #tpu.memory_space<vmem>> -> memref<1x1x128xi32, #tpu.memory_space<vmem>>
        %dma_start3A_208 = tpu.memref_squeeze %dma_start3A_207 : memref<1x1x128xi32, #tpu.memory_space<vmem>> -> memref<128xi32, #tpu.memory_space<vmem>>
        %dma_start3A_209 = arith.constant 0 : i32
        %dma_start3A_210 = arith.constant 0 : i32
        %dma_start3A_211 = tpu.memref_slice %arg3[%dma_start3A_209, %dma_start3A_210] : memref<100000x128xf32, #tpu.memory_space<hbm>> -> memref<100000x128xf32, #tpu.memory_space<hbm>>
        tpu.enqueue_indirect_dma source(%dma_start3A_211 : memref<100000x128xf32, #tpu.memory_space<hbm>>) target(%arg8 : memref<128x128xf32, #tpu.memory_space<vmem>>) offsets(%dma_start3A_208 : memref<128xi32, #tpu.memory_space<vmem>>) semaphore(%arg13 : memref<!tpu.dma_semaphore, #tpu.memory_space<semaphore_mem>>)
      } else {
      }
      %mul3A_151 = arith.constant 5 : i32
      %mul3A_152 = arith.muli %scan3A_81, %mul3A_151 : i32
      %add3A_153 = arith.constant 3 : i32
      %add3A_154 = arith.addi %mul3A_152, %add3A_153 : i32
      %dma_wait3A_155 = arith.constant 0 : i32
      %dma_wait3A_156 = arith.constant 0 : i32
      %dma_wait3A_157 = tpu.memref_slice %arg5[%add3A_154, %dma_wait3A_155, %dma_wait3A_156] : memref<50x1x128xi32, #tpu.memory_space<vmem>> -> memref<1x1x128xi32, #tpu.memory_space<vmem>>
      %dma_wait3A_158 = tpu.memref_squeeze %dma_wait3A_157 : memref<1x1x128xi32, #tpu.memory_space<vmem>> -> memref<128xi32, #tpu.memory_space<vmem>>
      %dma_wait3A_159 = arith.constant 0 : i32
      %dma_wait3A_160 = arith.constant 0 : i32
      %dma_wait3A_161 = tpu.memref_slice %arg3[%dma_wait3A_159, %dma_wait3A_160] : memref<100000x128xf32, #tpu.memory_space<hbm>> -> memref<100000x128xf32, #tpu.memory_space<hbm>>
      tpu.wait_indirect_dma semaphore(%arg14 : memref<!tpu.dma_semaphore, #tpu.memory_space<semaphore_mem>>) src(%dma_wait3A_161 : memref<100000x128xf32, #tpu.memory_space<hbm>>) dst(%arg9 : memref<128x128xf32, #tpu.memory_space<vmem>>)
      %dma_start3A_162 = arith.constant 0 : i32
      %dma_start3A_163 = tpu.memref_slice %arg4[%add3A_154, %mul3A_2, %dma_start3A_162] : memref<50x4096x128xf32, #tpu.memory_space<hbm>> -> memref<1x128x128xf32, #tpu.memory_space<hbm>>
      %dma_start3A_164 = tpu.memref_squeeze %dma_start3A_163 : memref<1x128x128xf32, #tpu.memory_space<hbm>> -> memref<128x128xf32, #tpu.memory_space<hbm>>
      %dma_start3A_165 = arith.constant 0 : i32
      %dma_start3A_166 = tpu.memref_slice %arg4[%add3A_154, %mul3A_2, %dma_start3A_165] : memref<50x4096x128xf32, #tpu.memory_space<hbm>> -> memref<1x128x128xf32, #tpu.memory_space<hbm>>
      %dma_start3A_167 = tpu.memref_squeeze %dma_start3A_166 : memref<1x128x128xf32, #tpu.memory_space<hbm>> -> memref<128x128xf32, #tpu.memory_space<hbm>>
      tpu.enqueue_dma source(%arg9 : memref<128x128xf32, #tpu.memory_space<vmem>>) target(%dma_start3A_167 : memref<128x128xf32, #tpu.memory_space<hbm>>) target_semaphore(%arg19 : memref<!tpu.dma_semaphore, #tpu.memory_space<semaphore_mem>>)
      %add3A_168 = arith.constant 5 : i32
      %add3A_169 = arith.addi %add3A_154, %add3A_168 : i32
      %lt3A_170 = arith.constant 50 : i32
      %lt3A_171 = arith.cmpi slt, %add3A_169, %lt3A_170 : i32
      %convert_element_type3A_172 = arith.extui %lt3A_171 : i1 to i32
      %cond3A_173 = arith.constant 0 : i32
      %cond3A_174 = arith.cmpi ne, %convert_element_type3A_172, %cond3A_173 : i32
      scf.if %cond3A_174 {
        %dma_wait3A_199 = arith.constant 0 : i32
        %dma_wait3A_200 = tpu.memref_slice %arg4[%add3A_154, %mul3A_2, %dma_wait3A_199] : memref<50x4096x128xf32, #tpu.memory_space<hbm>> -> memref<1x128x128xf32, #tpu.memory_space<hbm>>
        %dma_wait3A_201 = tpu.memref_squeeze %dma_wait3A_200 : memref<1x128x128xf32, #tpu.memory_space<hbm>> -> memref<128x128xf32, #tpu.memory_space<hbm>>
        %dma_wait3A_202 = arith.constant 0 : i32
        %dma_wait3A_203 = tpu.memref_slice %arg4[%add3A_154, %mul3A_2, %dma_wait3A_202] : memref<50x4096x128xf32, #tpu.memory_space<hbm>> -> memref<1x128x128xf32, #tpu.memory_space<hbm>>
        %dma_wait3A_204 = tpu.memref_squeeze %dma_wait3A_203 : memref<1x128x128xf32, #tpu.memory_space<hbm>> -> memref<128x128xf32, #tpu.memory_space<hbm>>
        tpu.wait_dma2 semaphore(%arg19 : memref<!tpu.dma_semaphore, #tpu.memory_space<semaphore_mem>>) src(%arg9 : memref<128x128xf32, #tpu.memory_space<vmem>>) dst(%dma_wait3A_204 : memref<128x128xf32, #tpu.memory_space<hbm>>)
        %dma_start3A_205 = arith.constant 0 : i32
        %dma_start3A_206 = arith.constant 0 : i32
        %dma_start3A_207 = tpu.memref_slice %arg5[%add3A_169, %dma_start3A_205, %dma_start3A_206] : memref<50x1x128xi32, #tpu.memory_space<vmem>> -> memref<1x1x128xi32, #tpu.memory_space<vmem>>
        %dma_start3A_208 = tpu.memref_squeeze %dma_start3A_207 : memref<1x1x128xi32, #tpu.memory_space<vmem>> -> memref<128xi32, #tpu.memory_space<vmem>>
        %dma_start3A_209 = arith.constant 0 : i32
        %dma_start3A_210 = arith.constant 0 : i32
        %dma_start3A_211 = tpu.memref_slice %arg3[%dma_start3A_209, %dma_start3A_210] : memref<100000x128xf32, #tpu.memory_space<hbm>> -> memref<100000x128xf32, #tpu.memory_space<hbm>>
        tpu.enqueue_indirect_dma source(%dma_start3A_211 : memref<100000x128xf32, #tpu.memory_space<hbm>>) target(%arg9 : memref<128x128xf32, #tpu.memory_space<vmem>>) offsets(%dma_start3A_208 : memref<128xi32, #tpu.memory_space<vmem>>) semaphore(%arg14 : memref<!tpu.dma_semaphore, #tpu.memory_space<semaphore_mem>>)
      } else {
      }
      %mul3A_175 = arith.constant 5 : i32
      %mul3A_176 = arith.muli %scan3A_81, %mul3A_175 : i32
      %add3A_177 = arith.constant 4 : i32
      %add3A_178 = arith.addi %mul3A_176, %add3A_177 : i32
      %dma_wait3A_179 = arith.constant 0 : i32
      %dma_wait3A_180 = arith.constant 0 : i32
      %dma_wait3A_181 = tpu.memref_slice %arg5[%add3A_178, %dma_wait3A_179, %dma_wait3A_180] : memref<50x1x128xi32, #tpu.memory_space<vmem>> -> memref<1x1x128xi32, #tpu.memory_space<vmem>>
      %dma_wait3A_182 = tpu.memref_squeeze %dma_wait3A_181 : memref<1x1x128xi32, #tpu.memory_space<vmem>> -> memref<128xi32, #tpu.memory_space<vmem>>
      %dma_wait3A_183 = arith.constant 0 : i32
      %dma_wait3A_184 = arith.constant 0 : i32
      %dma_wait3A_185 = tpu.memref_slice %arg3[%dma_wait3A_183, %dma_wait3A_184] : memref<100000x128xf32, #tpu.memory_space<hbm>> -> memref<100000x128xf32, #tpu.memory_space<hbm>>
      tpu.wait_indirect_dma semaphore(%arg15 : memref<!tpu.dma_semaphore, #tpu.memory_space<semaphore_mem>>) src(%dma_wait3A_185 : memref<100000x128xf32, #tpu.memory_space<hbm>>) dst(%arg10 : memref<128x128xf32, #tpu.memory_space<vmem>>)
      %dma_start3A_186 = arith.constant 0 : i32
      %dma_start3A_187 = tpu.memref_slice %arg4[%add3A_178, %mul3A_2, %dma_start3A_186] : memref<50x4096x128xf32, #tpu.memory_space<hbm>> -> memref<1x128x128xf32, #tpu.memory_space<hbm>>
      %dma_start3A_188 = tpu.memref_squeeze %dma_start3A_187 : memref<1x128x128xf32, #tpu.memory_space<hbm>> -> memref<128x128xf32, #tpu.memory_space<hbm>>
      %dma_start3A_189 = arith.constant 0 : i32
      %dma_start3A_190 = tpu.memref_slice %arg4[%add3A_178, %mul3A_2, %dma_start3A_189] : memref<50x4096x128xf32, #tpu.memory_space<hbm>> -> memref<1x128x128xf32, #tpu.memory_space<hbm>>
      %dma_start3A_191 = tpu.memref_squeeze %dma_start3A_190 : memref<1x128x128xf32, #tpu.memory_space<hbm>> -> memref<128x128xf32, #tpu.memory_space<hbm>>
      tpu.enqueue_dma source(%arg10 : memref<128x128xf32, #tpu.memory_space<vmem>>) target(%dma_start3A_191 : memref<128x128xf32, #tpu.memory_space<hbm>>) target_semaphore(%arg20 : memref<!tpu.dma_semaphore, #tpu.memory_space<semaphore_mem>>)
      %add3A_192 = arith.constant 5 : i32
      %add3A_193 = arith.addi %add3A_178, %add3A_192 : i32
      %lt3A_194 = arith.constant 50 : i32
      %lt3A_195 = arith.cmpi slt, %add3A_193, %lt3A_194 : i32
      %convert_element_type3A_196 = arith.extui %lt3A_195 : i1 to i32
      %cond3A_197 = arith.constant 0 : i32
      %cond3A_198 = arith.cmpi ne, %convert_element_type3A_196, %cond3A_197 : i32
      scf.if %cond3A_198 {
        %dma_wait3A_199 = arith.constant 0 : i32
        %dma_wait3A_200 = tpu.memref_slice %arg4[%add3A_178, %mul3A_2, %dma_wait3A_199] : memref<50x4096x128xf32, #tpu.memory_space<hbm>> -> memref<1x128x128xf32, #tpu.memory_space<hbm>>
        %dma_wait3A_201 = tpu.memref_squeeze %dma_wait3A_200 : memref<1x128x128xf32, #tpu.memory_space<hbm>> -> memref<128x128xf32, #tpu.memory_space<hbm>>
        %dma_wait3A_202 = arith.constant 0 : i32
        %dma_wait3A_203 = tpu.memref_slice %arg4[%add3A_178, %mul3A_2, %dma_wait3A_202] : memref<50x4096x128xf32, #tpu.memory_space<hbm>> -> memref<1x128x128xf32, #tpu.memory_space<hbm>>
        %dma_wait3A_204 = tpu.memref_squeeze %dma_wait3A_203 : memref<1x128x128xf32, #tpu.memory_space<hbm>> -> memref<128x128xf32, #tpu.memory_space<hbm>>
        tpu.wait_dma2 semaphore(%arg20 : memref<!tpu.dma_semaphore, #tpu.memory_space<semaphore_mem>>) src(%arg10 : memref<128x128xf32, #tpu.memory_space<vmem>>) dst(%dma_wait3A_204 : memref<128x128xf32, #tpu.memory_space<hbm>>)
        %dma_start3A_205 = arith.constant 0 : i32
        %dma_start3A_206 = arith.constant 0 : i32
        %dma_start3A_207 = tpu.memref_slice %arg5[%add3A_193, %dma_start3A_205, %dma_start3A_206] : memref<50x1x128xi32, #tpu.memory_space<vmem>> -> memref<1x1x128xi32, #tpu.memory_space<vmem>>
        %dma_start3A_208 = tpu.memref_squeeze %dma_start3A_207 : memref<1x1x128xi32, #tpu.memory_space<vmem>> -> memref<128xi32, #tpu.memory_space<vmem>>
        %dma_start3A_209 = arith.constant 0 : i32
        %dma_start3A_210 = arith.constant 0 : i32
        %dma_start3A_211 = tpu.memref_slice %arg3[%dma_start3A_209, %dma_start3A_210] : memref<100000x128xf32, #tpu.memory_space<hbm>> -> memref<100000x128xf32, #tpu.memory_space<hbm>>
        tpu.enqueue_indirect_dma source(%dma_start3A_211 : memref<100000x128xf32, #tpu.memory_space<hbm>>) target(%arg10 : memref<128x128xf32, #tpu.memory_space<vmem>>) offsets(%dma_start3A_208 : memref<128xi32, #tpu.memory_space<vmem>>) semaphore(%arg15 : memref<!tpu.dma_semaphore, #tpu.memory_space<semaphore_mem>>)
      } else {
      }
    }
    %scan3A_46 = arith.constant 10 : i32
    %dma_wait3A = arith.constant 45 : i32
    %dma_wait3A_47 = arith.constant 0 : i32
    %dma_wait3A_48 = tpu.memref_slice %arg4[%dma_wait3A, %mul3A_2, %dma_wait3A_47] : memref<50x4096x128xf32, #tpu.memory_space<hbm>> -> memref<1x128x128xf32, #tpu.memory_space<hbm>>
    %dma_wait3A_49 = tpu.memref_squeeze %dma_wait3A_48 : memref<1x128x128xf32, #tpu.memory_space<hbm>> -> memref<128x128xf32, #tpu.memory_space<hbm>>
    %dma_wait3A_50 = arith.constant 0 : i32
    %dma_wait3A_51 = tpu.memref_slice %arg4[%dma_wait3A, %mul3A_2, %dma_wait3A_50] : memref<50x4096x128xf32, #tpu.memory_space<hbm>> -> memref<1x128x128xf32, #tpu.memory_space<hbm>>
    %dma_wait3A_52 = tpu.memref_squeeze %dma_wait3A_51 : memref<1x128x128xf32, #tpu.memory_space<hbm>> -> memref<128x128xf32, #tpu.memory_space<hbm>>
    tpu.wait_dma2 semaphore(%arg16 : memref<!tpu.dma_semaphore, #tpu.memory_space<semaphore_mem>>) src(%arg6 : memref<128x128xf32, #tpu.memory_space<vmem>>) dst(%dma_wait3A_52 : memref<128x128xf32, #tpu.memory_space<hbm>>)
    %dma_wait3A_53 = arith.constant 46 : i32
    %dma_wait3A_54 = arith.constant 0 : i32
    %dma_wait3A_55 = tpu.memref_slice %arg4[%dma_wait3A_53, %mul3A_2, %dma_wait3A_54] : memref<50x4096x128xf32, #tpu.memory_space<hbm>> -> memref<1x128x128xf32, #tpu.memory_space<hbm>>
    %dma_wait3A_56 = tpu.memref_squeeze %dma_wait3A_55 : memref<1x128x128xf32, #tpu.memory_space<hbm>> -> memref<128x128xf32, #tpu.memory_space<hbm>>
    %dma_wait3A_57 = arith.constant 0 : i32
    %dma_wait3A_58 = tpu.memref_slice %arg4[%dma_wait3A_53, %mul3A_2, %dma_wait3A_57] : memref<50x4096x128xf32, #tpu.memory_space<hbm>> -> memref<1x128x128xf32, #tpu.memory_space<hbm>>
    %dma_wait3A_59 = tpu.memref_squeeze %dma_wait3A_58 : memref<1x128x128xf32, #tpu.memory_space<hbm>> -> memref<128x128xf32, #tpu.memory_space<hbm>>
    tpu.wait_dma2 semaphore(%arg17 : memref<!tpu.dma_semaphore, #tpu.memory_space<semaphore_mem>>) src(%arg7 : memref<128x128xf32, #tpu.memory_space<vmem>>) dst(%dma_wait3A_59 : memref<128x128xf32, #tpu.memory_space<hbm>>)
    %dma_wait3A_60 = arith.constant 47 : i32
    %dma_wait3A_61 = arith.constant 0 : i32
    %dma_wait3A_62 = tpu.memref_slice %arg4[%dma_wait3A_60, %mul3A_2, %dma_wait3A_61] : memref<50x4096x128xf32, #tpu.memory_space<hbm>> -> memref<1x128x128xf32, #tpu.memory_space<hbm>>
    %dma_wait3A_63 = tpu.memref_squeeze %dma_wait3A_62 : memref<1x128x128xf32, #tpu.memory_space<hbm>> -> memref<128x128xf32, #tpu.memory_space<hbm>>
    %dma_wait3A_64 = arith.constant 0 : i32
    %dma_wait3A_65 = tpu.memref_slice %arg4[%dma_wait3A_60, %mul3A_2, %dma_wait3A_64] : memref<50x4096x128xf32, #tpu.memory_space<hbm>> -> memref<1x128x128xf32, #tpu.memory_space<hbm>>
    %dma_wait3A_66 = tpu.memref_squeeze %dma_wait3A_65 : memref<1x128x128xf32, #tpu.memory_space<hbm>> -> memref<128x128xf32, #tpu.memory_space<hbm>>
    tpu.wait_dma2 semaphore(%arg18 : memref<!tpu.dma_semaphore, #tpu.memory_space<semaphore_mem>>) src(%arg8 : memref<128x128xf32, #tpu.memory_space<vmem>>) dst(%dma_wait3A_66 : memref<128x128xf32, #tpu.memory_space<hbm>>)
    %dma_wait3A_67 = arith.constant 48 : i32
    %dma_wait3A_68 = arith.constant 0 : i32
    %dma_wait3A_69 = tpu.memref_slice %arg4[%dma_wait3A_67, %mul3A_2, %dma_wait3A_68] : memref<50x4096x128xf32, #tpu.memory_space<hbm>> -> memref<1x128x128xf32, #tpu.memory_space<hbm>>
    %dma_wait3A_70 = tpu.memref_squeeze %dma_wait3A_69 : memref<1x128x128xf32, #tpu.memory_space<hbm>> -> memref<128x128xf32, #tpu.memory_space<hbm>>
    %dma_wait3A_71 = arith.constant 0 : i32
    %dma_wait3A_72 = tpu.memref_slice %arg4[%dma_wait3A_67, %mul3A_2, %dma_wait3A_71] : memref<50x4096x128xf32, #tpu.memory_space<hbm>> -> memref<1x128x128xf32, #tpu.memory_space<hbm>>
    %dma_wait3A_73 = tpu.memref_squeeze %dma_wait3A_72 : memref<1x128x128xf32, #tpu.memory_space<hbm>> -> memref<128x128xf32, #tpu.memory_space<hbm>>
    tpu.wait_dma2 semaphore(%arg19 : memref<!tpu.dma_semaphore, #tpu.memory_space<semaphore_mem>>) src(%arg9 : memref<128x128xf32, #tpu.memory_space<vmem>>) dst(%dma_wait3A_73 : memref<128x128xf32, #tpu.memory_space<hbm>>)
    %dma_wait3A_74 = arith.constant 49 : i32
    %dma_wait3A_75 = arith.constant 0 : i32
    %dma_wait3A_76 = tpu.memref_slice %arg4[%dma_wait3A_74, %mul3A_2, %dma_wait3A_75] : memref<50x4096x128xf32, #tpu.memory_space<hbm>> -> memref<1x128x128xf32, #tpu.memory_space<hbm>>
    %dma_wait3A_77 = tpu.memref_squeeze %dma_wait3A_76 : memref<1x128x128xf32, #tpu.memory_space<hbm>> -> memref<128x128xf32, #tpu.memory_space<hbm>>
    %dma_wait3A_78 = arith.constant 0 : i32
    %dma_wait3A_79 = tpu.memref_slice %arg4[%dma_wait3A_74, %mul3A_2, %dma_wait3A_78] : memref<50x4096x128xf32, #tpu.memory_space<hbm>> -> memref<1x128x128xf32, #tpu.memory_space<hbm>>
    %dma_wait3A_80 = tpu.memref_squeeze %dma_wait3A_79 : memref<1x128x128xf32, #tpu.memory_space<hbm>> -> memref<128x128xf32, #tpu.memory_space<hbm>>
    tpu.wait_dma2 semaphore(%arg20 : memref<!tpu.dma_semaphore, #tpu.memory_space<semaphore_mem>>) src(%arg10 : memref<128x128xf32, #tpu.memory_space<vmem>>) dst(%dma_wait3A_80 : memref<128x128xf32, #tpu.memory_space<hbm>>)
    return
  }
}

</mosaic_0001>

<sc_bundles>
// kernel: kernel.3.cloned.1.call-start
scs
__scs_entry_jumppad:
0x0: {  	(pc) =	sbr.rel $0x88, $3  }
0x1: {  	(tag) =	ssettag $0x0;
	lr =	simm.s32 $0x1  }
0x2: {  	[smem:$0x3F9F] =	sst lr;
	_ =	strace $0xD0000000  }
0x3: {  	_ = 	snop  }
0x4: {  	_ = 	snop  }
0x5: {  	_ = 	snop  }
0x6: {  	_ = 	snop  }
0x7: {  	_ = 	snop  }
__scs_overlays_trampoline_lowered:
0x8: {  	[smem:$0x3FAE] =	sst s0  }
0x9: {  	[smem:$0x3FAF] =	sst s1  }
0xa: {  	[smem:$0x3FB0] =	sst s2  }
0xb: {  	[smem:$0x3FB1] =	sst s3  }
0xc: {  	[smem:$0x3FB2] =	sst s4  }
0xd: {  	[smem:$0x3FB3] =	sst s5  }
0xe: {  	[smem:$0x3FB4] =	sst s6  }
0xf: {  	[smem:$0x3FB5] =	sst s7  }
0x10: {  	[smem:$0x3FB6] =	sst s8  }
0x11: {  	[smem:$0x3FB7] =	sst s9;
	s0 =	simm.s32 @!p0 $0x0  }
0x12: {  	s1 =	sld [smem:$0x3F9D];
	s0 =	simm.s32 @p0 $0x1  }
0x13: {  	[smem:$0x3FB8] =	sst s0;
	s0 =	simm.s32 @!p1 $0x0  }
0x14: {  	s2 =	sld [smem:$0x3F9C];
	s0 =	simm.s32 @p1 $0x1  }
0x15: {  	[smem:$0x3FB9] =	sst s0;
	s0 =	simm.s32 @!p2 $0x0  }
0x16: {  	s3 =	sld [smem:$0x3FDB];
	s0 =	simm.s32 @p2 $0x1  }
0x17: {  	s4 =	simm.s32 $0x1BF5;
	[smem:$0x3FBB] =	sst s0  }
0x18: {  	s0 =	sld [smem:$0x3F9E];
	_ =	swait.ge [sflag:s4], $0x0  }
0x19: {  	s7 =	sld [smem:$0x3F9F]  }
0x1a: {  	s8 =	sadd.s32 $0xFFFFE003, lr  }
0x1b: {  	s9 =	sadd.s32 $0xFFFFFEF7, lr;
	s5 =	simm.s32 $0xFFFFFFFF;
	p2 =	slt.u32 s8, $0xFFFFF086  }
0x1c: {  	p1 =	slt.u32 s9, $0xF7A;
	s5 =	simm.s32 @!p2 $0x0  }
0x1d: {  	s5 =	simm.s32 @p1 $0x1;
	p0 =	seq.s32 s7, s2  }
0x1e: {  	s7 =	smul.u32 @!p0 $0xF7A, s2;
	p2 =	seq.s32 @!p0 s5, $0x0  }
0x1f: {  	s9 =	smul.u32 $0xF7A, s1;
	s8 =	simm.s32 @!p0 $0x1BF5;
	p2 =	por !p2, p0  }
0x20: {  	[sflag:s8] =	ssyncset.s32 @!p0 $0xFFFFF086;
	s6 =	sadd.s32 @!p0 s3, s7;
	s7 =	simm.s32 @!p0 $0x108  }
0x21: {  	s3 =	sadd.s32 s3, s9;
	s6 =	sadd.s32 @!p0 $0x88, s6;
	s7 =	simm.s32 @p2 $0x1082  }
0x22: {  	[simem:s7], [sflag:s8] =	dma.local @!p0 [hbm:s6], $0xF7A  }
0x23: {  	s9 =	sor.u32 $0xD0000000, s2;
	s6 =	simm.s32 $0x108;
	_ =	swait.ge @!p0 [sflag:s8], $0x0  }
0x24: {  	s3 =	sadd.s32 $0x88, s3;
	s6 =	simm.s32 @!p1 $0x1082;
	[sflag:s4] =	ssyncset.s32 $0xFFFFF086  }
0x25: {  	[simem:s6], [sflag:s4] =	dma.local [hbm:s3], $0xF7A  }
0x26: {  	[smem:$0x3F9F] =	sst s1;
	(tag) =	ssettag s2;
	_ =	strace s9  }
0x27: {  	s1 =	sld [smem:$0x3FAF]  }
0x28: {  	s2 =	sld [smem:$0x3FB0]  }
0x29: {  	s4 =	sld [smem:$0x3FB2]  }
0x2a: {  	p0 =	seq.s32 s5, $0x0;
	s5 =	sld [smem:$0x3FB3]  }
0x2b: {  	s6 =	sld [smem:$0x3FB4]  }
0x2c: {  	s7 =	sld [smem:$0x3FB5]  }
0x2d: {  	s3 =	simm.s32 $0x108;
	s8 =	sld [smem:$0x3FB6]  }
0x2e: {  	s3 =	simm.s32 @!p0 $0x1082;
	s9 =	sld [smem:$0x3FB7]  }
0x2f: {  	lr =	sadd.s32 s0, s3;
	s0 =	sld [smem:$0x3FAE]  }
0x30: {  	s3 =	sld [smem:$0x3FB1]  }
0x31: {  	[smem:$0x3FBA] =	sst s10  }
0x32: {  	s10 =	sld [smem:$0x3FB8];
	_ =	sdelay $0x3  }
0x33: {  	p0 =	seq.s32 s10, $0x1;
	s10 =	sld [smem:$0x3FBA];
	_ =	sdelay $0x3  }
0x34: {  	[smem:$0x3FBA] =	sst s10  }
0x35: {  	s10 =	sld [smem:$0x3FB9];
	_ =	sdelay $0x3  }
0x36: {  	p1 =	seq.s32 s10, $0x1;
	s10 =	sld [smem:$0x3FBA];
	_ =	sdelay $0x3  }
0x37: {  	[smem:$0x3FBA] =	sst s10  }
0x38: {  	s10 =	sld [smem:$0x3FBB]  }
0x39: {  	_ = 	snop;
	(pc) =	sbr.ind lr, $3  }
0x3a: {  	_ = 	snop  }
0x3b: {  	_ = 	snop  }
0x3c: {  	p2 =	seq.s32 s10, $0x1;
	s10 =	sld [smem:$0x3FBA]  }
0x3d: {  	_ =	shalt  }
0x3e: {  	_ =	shalt  }
0x3f: {  	_ =	shalt  }
0x40: {  	_ =	shalt  }
0x41: {  	_ =	shalt  }
0x42: {  	_ =	shalt  }
0x43: {  	_ =	shalt  }
0x44: {  	_ =	shalt  }
0x45: {  	_ =	shalt  }
0x46: {  	_ =	shalt  }
0x47: {  	_ =	shalt  }
0x48: {  	_ =	shalt  }
0x49: {  	_ =	shalt  }
0x4a: {  	_ =	shalt  }
0x4b: {  	_ =	shalt  }
0x4c: {  	_ =	shalt  }
0x4d: {  	_ =	shalt  }
0x4e: {  	_ =	shalt  }
0x4f: {  	_ =	shalt  }
0x50: {  	_ =	shalt  }
0x51: {  	_ =	shalt  }
0x52: {  	_ =	shalt  }
0x53: {  	_ =	shalt  }
0x54: {  	_ =	shalt  }
0x55: {  	_ =	shalt  }
0x56: {  	_ =	shalt  }
0x57: {  	_ =	shalt  }
0x58: {  	_ =	shalt  }
0x59: {  	_ =	shalt  }
0x5a: {  	_ =	shalt  }
0x5b: {  	_ =	shalt  }
0x5c: {  	_ =	shalt  }
0x5d: {  	_ =	shalt  }
0x5e: {  	_ =	shalt  }
0x5f: {  	_ =	shalt  }
0x60: {  	_ =	shalt  }
0x61: {  	_ =	shalt  }
0x62: {  	_ =	shalt  }
0x63: {  	_ =	shalt  }
0x64: {  	_ =	shalt  }
0x65: {  	_ =	shalt  }
0x66: {  	_ =	shalt  }
0x67: {  	_ =	shalt  }
0x68: {  	_ =	shalt  }
0x69: {  	_ =	shalt  }
0x6a: {  	_ =	shalt  }
0x6b: {  	_ =	shalt  }
0x6c: {  	_ =	shalt  }
0x6d: {  	_ =	shalt  }
0x6e: {  	_ =	shalt  }
0x6f: {  	_ =	shalt  }
0x70: {  	_ =	shalt  }
0x71: {  	_ =	shalt  }
0x72: {  	_ =	shalt  }
0x73: {  	_ =	shalt  }
0x74: {  	_ =	shalt  }
0x75: {  	_ =	shalt  }
0x76: {  	_ =	shalt  }
0x77: {  	_ =	shalt  }
0x78: {  	_ =	shalt  }
0x79: {  	_ =	shalt  }
0x7a: {  	_ =	shalt  }
0x7b: {  	_ =	shalt  }
0x7c: {  	_ =	shalt  }
0x7d: {  	_ =	shalt  }
0x7e: {  	_ =	shalt  }
0x7f: {  	_ =	shalt  }
0x80: {  	_ =	shalt  }
0x81: {  	_ =	shalt  }
0x82: {  	_ =	shalt  }
0x83: {  	_ =	shalt  }
0x84: {  	_ =	shalt  }
0x85: {  	_ =	shalt  }
0x86: {  	_ =	shalt  }
0x87: {  	_ =	shalt  }
.Lfunc_end0:
.L_simem_size_0:
called_computation_lowered:
.L_overlay_start_0:
0x88: {  	s2 =	sld [smem:$0x3FD9]  }
0x89: {  	s3 =	sld [smem:$0x3FFE];
	_ =	sdelay $0x1  }
0x8a: {  	s1 =	srdreg.scid  }
0x8b: {  	s0 =	sand.u32 $0x1, s1  }
0x8c: {  	s17 =	sshll.u32 s0, $0xA;
	s2 =	sadd.s32 s3, s2  }
0x8d: {  	s2 =	sadd.s32 s2, s17  }
0x8e: {  	[smem:$0x3FC6] =	sst s2  }
0x8f: {  	_ = 	snop  }
0x90: {  	s2 =	sld [smem:$0x3FC8]  }
0x91: {  	s18 =	sld [smem:$0x3FD0];
	(tm) =	ssettm $0x1  }
0x92: {  	s4 =	sld [smem:$0x3FFB];
	_ =	sdelay $0x3  }
0x93: {  	_ =	strace s4  }
0x94: {  	s4 =	sld [smem:$0x3FFC];
	_ =	sdelay $0x3  }
0x95: {  	_ =	strace s4  }
0x96: {  	s4 =	sld [smem:$0x3FFD];
	_ =	sdelay $0x3  }
0x97: {  	_ =	strace s4  }
0x98: {  	_ =	strace $0x8FFFFFFF  }
0x99: {  	s19 =	sld [smem:$0x3FDB];
	_ =	sdelay $0x1  }
0x9a: {  	s5 =	simm.s32 $_scs_section_size  }
0x9b: {  	s6 =	simm.s32 $_size__tile_overlayer_lowered;
	s7 =	simm.s32 $_tile_overlayer_lowered  }
0x9c: {  	s22 =	simm.s32 $0x1BFF;
	s21 =	sshll.u32 s7, $0x1;
	s4 =	sadd.s32 s5, s19  }
0x9d: {  	s8 =	simm.s32 $0x0;
	s20 =	sshll.u32 s6, $0x1;
	s6 =	sadd.s32 s21, s4  }
0x9e: {  	[timem:s8], [sflag:s22] =	dma.local [hbm:s6], s20  }
0x9f: {  	_ =	swait.ge [sflag:s22], s20  }
0xa0: {  	s5 =	ssub.s32 $0x0, s20;
	[sflag:s22] =	ssyncset.done $0x0  }
0xa1: {  	[sflag:s22] =	ssyncadd.s32 s5;
	_ =	sdelay $0x1  }
0xa2: {  	s23 =	simm.s32 $0x1B8B  }
0xa3: {  	_ =	swait.ge [sflag:s23], $0x1  }
0xa4: {  	[sflag:s23] =	ssyncset.done $0x0  }
0xa5: {  	s25 =	simm.s32 $0x1B8E;
	s24 =	sld [smem:$0x3FFE];
	[sflag:s23] =	ssyncadd.s32 $0xFFFFFFFF  }
0xa6: {  	s26 =	simm.s32 $execute0_lowered;
	[smem:$0x3FD2] =	sst s25  }
0xa7: {  	s6 =	sshll.u32 s26, $0x1;
	_ =	strace $0x80000046;
	[dreg:$0x1] =	wrdreg $0xFFFFFFFF  }
0xa8: {  	s28 =	simm.s32 $_size_execute0_lowered;
	s4 =	sadd.s32 s4, s6;
	[dreg:$0x0] =	wrdreg $0x0  }
0xa9: {  	s6 =	sshll.u32 s28, $0x1;
	[dreg:$0x2] =	wrdreg s4  }
0xaa: {  	[dreg:$0x3] =	wrdreg s6  }
0xab: {  	[dreg:$0x4] =	wrdreg $0xC0  }
0xac: {  	_ =	task [dreg:s8], $0x5FFFF  }
0xad: {  	[dreg:$0x1] =	wrdreg $0xFFFFFFFF  }
0xae: {  	[dreg:$0x0] =	wrdreg $0x60  }
0xaf: {  	[dreg:$0x2] =	wrdreg s24  }
0xb0: {  	[dreg:$0x3] =	wrdreg s2  }
0xb1: {  	[dreg:$0x4] =	wrdreg s18  }
0xb2: {  	[dreg:$0x5] =	wrdreg $0x9  }
0xb3: {  	_ =	task.clear_ibuf [dreg:s8], $0x6FFFF;
	_ =	strace $0x90000046  }
0xb4: {  	s29 =	simm.s32 $0x9;
	_ =	strace $0x80000048  }
0xb5: {  	_ =	swait.ge [sflag:s29], $0x1  }
0xb6: {  	[sflag:s29] =	ssyncadd.s32 $0xFFFFFFFF  }
0xb7: {  	_ =	strace $0x90000048  }
0xb8: {  	_ =	sfence  }
0xb9: {  	s30 =	sld [smem:$0x0];
	_ =	sdelay $0x2  }
0xba: {  	s31 =	sshll.u32 s1, $0xD;
	s1 =	sshrl.u32 s1, $0x2  }
0xbb: {  	s3 =	sand.u32 $0x4000, s31;
	s1 =	sadd.s32 s1, s30  }
0xbc: {  	s0 =	sor.u32 s3, s0;
	s1 =	sshll.u32 s1, $0x11  }
0xbd: {  	s0 =	sor.u32 s1, s0  }
0xbe: {  	s0 =	sadd.s32 $0x8F2B, s0  }
0xbf: {  	[sflag:s0] =	ssyncadd.remote.s32 $0x1  }
0xc0: {  	_ =	sfence.sel $0xFFFF  }
0xc1: {  	[dreg:$0x0] =	wrdreg $0xFFFFFFFF;
	(pc) =	sbr.abs _section_cstart, $3  }
0xc2: {  	[dreg:$0x1] =	wrdreg $0xFFFFFFFF  }
0xc3: {  	_ =	task.clear_ibuf [dreg:s8], $0x2FFFF;
	_ =	strace $0x9FFFFFFF  }
0xc4: {  	(tm) =	ssettm $0x7FFFFFFF  }
0xc5: {  	_ =	shalt  }
tec
execute0_lowered:
.L_overlay_start_1:
0x0: {  	(tag) =	ssettag $0x1  }
0x1: {  	s0 =	rddreg [dreg:$0x0]  }
0x2: {  	s2 =	rddreg [dreg:$0x1];
	s1 =	srdreg.scid  }
0x3: {  	s7 =	stileid.u32;
	s8 =	rddreg [dreg:$0x2];
	s3 =	simm.s32 $0x0  }
0x4: {  	s13 =	simm.s32 $0x80;
	s15 =	simm.s32 $0xB;
	s28 =	simm.s32 $0x6  }
0x5: {  	s29 =	simm.s32 $0x7;
	s30 =	simm.s32 $0x8;
	s31 =	simm.s32 $0x9  }
0x6: {  	s1 =	sand.u32 $0x1, s1;
	s4 =	sshll.u32 s7, $0x1;
	[smem:$0x7FF] =	sst s3  }
0x7: {  	s7 =	sshll.u32 s7, $0xF;
	s4 =	sor.u32 s1, s4;
	_ =	strace $0x80000047  }
0x8: {  	s16 =	ssub.s32 $0x2, s1;
	s1 =	sshll.u32 s1, $0xE;
	s5 =	sshll.u32 s4, $0x4  }
0x9: {  	s6 =	sshrl.u32 s16, $0x1;
	s17 =	sshll.u32 s4, $0xB;
	s1 =	sor.u32 s1, s7  }
0xa: {  	s0 =	sadd.s32 s5, s0;
	s5 =	ssub.s32 s16, s6;
	s18 =	sadd.s32 s17, s8  }
0xb: {  	s7 =	sor.u32 $0x200000, s1;
	s21 =	sor.u32 $0x180000, s1;
	s22 =	sor.u32 $0x100000, s1  }
0xc: {  	s10 =	sor.u32 $0x80000, s1;
	s26 =	sshrl.u32 s1, $0x3;
	s16 =	simm.s32 $0x1900  }
0xd: {  	s1 =	simm.s32 $0xA;
	s0 =	sadd.s32 $0x400, s0;
	s19 =	smax.u32 s5, $0x1  }
0xe: {  	s6 =	sadd.s32 $0x2E0000, s18;
	s9 =	sshrl.u32 s7, $0x3;
	s7 =	sadd.s32 $0x300000, s18  }
0xf: {  	s23 =	sshrl.u32 s22, $0x3;
	s24 =	sshrl.u32 s10, $0x3;
	[dreg:$0x4] =	wrdreg s0  }
0x10: {  	s14 =	sadd.s32 s26, s8;
	s26 =	simm.s32 $0x5;
	[dreg:$0x5] =	wrdreg s19  }
.Ltmp0:
0x11: {  	s20 =	sadd.s32 s9, s8;
	s0 =	sshrl.u32 s21, $0x3;
	(pc) =	sbr.rel .LBB2_1-.Ltmp0, $4  }
0x12: {  	s25 =	sadd.s32 s24, s8;
	s19 =	simm.s32 $0x9900;
	[dreg:$0x6] =	wrdreg s20  }
0x13: {  	s24 =	simm.s32 $0x1;
	s0 =	sadd.s32 s0, s8;
	[dreg:$0x9] =	wrdreg s25  }
0x14: {  	s25 =	simm.s32 $0x3;
	[dreg:$0x7] =	wrdreg s0;
	s0 =	sadd.s32 s23, s8  }
0x15: {  	s23 =	simm.s32 $0x11900;
	[dreg:$0x8] =	wrdreg s0;
	s0 =	simm.s32 $0x0  }
.LBB2_4:
0x16: {  	_ =	swait.ge [sflag:s28], $0x4000  }
0x17: {  	[sflag:s28] =	ssyncset.done $0x0  }
0x18: {  	[sflag:s28] =	ssyncadd.s32 $0xFFFFC000  }
0x19: {  	_ =	swait.ge [sflag:s29], $0x4000  }
0x1a: {  	[sflag:s29] =	ssyncset.done $0x0  }
0x1b: {  	[sflag:s29] =	ssyncadd.s32 $0xFFFFC000  }
0x1c: {  	_ =	swait.ge [sflag:s30], $0x4000  }
0x1d: {  	[sflag:s30] =	ssyncset.done $0x0  }
0x1e: {  	[sflag:s30] =	ssyncadd.s32 $0xFFFFC000  }
0x1f: {  	_ =	swait.ge [sflag:s31], $0x4000  }
0x20: {  	[sflag:s31] =	ssyncset.done $0x0  }
0x21: {  	[sflag:s31] =	ssyncadd.s32 $0xFFFFC000  }
0x22: {  	_ =	swait.ge [sflag:s1], $0x4000  }
0x23: {  	s0 =	sadd.s32 $0x1, s0;
	s4 =	rddreg [dreg:$0x5]  }
0x24: {  	p0 =	sne.s32 s0, s4  }
.Ltmp1:
0x25: {  	_ = 	snop;
	(pc) =	sbr.rel @!p0 .LBB2_5-.Ltmp1, $3  }
0x26: {  	_ =	sdelay $0x1  }
0x27: {  	[sflag:s1] =	ssyncset.done $0x0  }
0x28: {  	[sflag:s1] =	ssyncadd.s32 $0xFFFFC000  }
.LBB2_1:
0x29: {  	s4 =	rddreg [dreg:$0x4];
	s5 =	simm.s32 $0x1000  }
0x2a: {  	[tilespmem:s3], [sflag:$0xB] =	stream.strided.gather [hbm4b:s4+s13], $0x1900, s5, s13, $0x38;
	[tilespmem:$0x15900] =	vst v63  }
0x2b: {  	_ =	swait.ge [sflag:s15], $0x1900  }
0x2c: {  	[sflag:s15] =	ssyncset.done $0x0  }
0x2d: {  	[sflag:s15] =	ssyncadd.s32 $0xFFFFE700  }
0x2e: {  	[tilespmem:s16], [sflag:$0x1] =	stream.indirect.gather [hbm4b:s2+s13], $0x80, s3, s13, $0xb8;
	[tilespmem:$0x15900] =	vst v63  }
0x2f: {  	s17 =	simm.s32 $0x5900  }
0x30: {  	[tilespmem:s17], [sflag:$0x2] =	stream.indirect.gather [hbm4b:s2+s13], $0x80, s13, s13, $0xb8;
	[tilespmem:$0x15900] =	vst v63  }
0x31: {  	s18 =	simm.s32 $0x100;
	s11 =	rddreg [dreg:$0x9]  }
0x32: {  	[tilespmem:s19], [sflag:$0x3] =	stream.indirect.gather [hbm4b:s2+s13], $0x80, s18, s13, $0xb8;
	[tilespmem:$0x15900] =	vst v63  }
0x33: {  	s20 =	simm.s32 $0x180;
	s21 =	simm.s32 $0xD900;
	s10 =	rddreg [dreg:$0x8]  }
0x34: {  	[tilespmem:s21], [sflag:$0x4] =	stream.indirect.gather [hbm4b:s2+s13], $0x80, s20, s13, $0xb8;
	[tilespmem:$0x15900] =	vst v63  }
0x35: {  	s22 =	simm.s32 $0x200;
	s9 =	rddreg [dreg:$0x7]  }
0x36: {  	[tilespmem:s23], [sflag:$0x5] =	stream.indirect.gather [hbm4b:s2+s13], $0x80, s22, s13, $0xb8;
	[tilespmem:$0x15900] =	vst v63  }
0x37: {  	s12 =	smov.u32 s14;
	s8 =	rddreg [dreg:$0x6];
	s22 =	simm.s32 $0x0  }
.LBB2_2:
0x38: {  	_ =	swait.ge [sflag:s24], $0x4000  }
0x39: {  	p0 =	seq.s32 s22, $0x5A00;
	[sflag:s24] =	ssyncset.done $0x0  }
0x3a: {  	s4 =	simm.s32 @p0 $0x2;
	[sflag:s24] =	ssyncadd.s32 $0xFFFFC000  }
0x3b: {  	[hbm4b:s12+s3] =	stream.linear.scatter [tilespmem:s16], [sflag:$0x6], $0x4000, $0x38;
	[tilespmem:$0x15900] =	vst v63  }
0x3c: {  	_ =	swait.ge @p0 [sflag:s4], $0x4000  }
0x3d: {  	[sflag:s4] =	ssyncset.done @p0 $0x0  }
0x3e: {  	s5 =	simm.s32 @p0 $0x5900;
	[sflag:s4] =	ssyncadd.s32 @p0 $0xFFFFC000;
	s4 =	simm.s32 @p0 $0x0  }
0x3f: {  	[hbm4b:s6+s4] =	stream.linear.scatter @p0 [tilespmem:s5], [sflag:$0x7], $0x4000, $0x38;
	[tilespmem:$0x15900] =	vst v63  }
0x40: {  	s5 =	simm.s32 @!p0 $0x6  }
0x41: {  	_ =	swait.ge @!p0 [sflag:s5], $0x4000  }
0x42: {  	[sflag:s5] =	ssyncset.done @!p0 $0x0  }
0x43: {  	[sflag:s5] =	ssyncadd.s32 @!p0 $0xFFFFC000;
	s5 =	sshra.s32 @!p0 s22, $0x2  }
0x44: {  	s20 =	simm.s32 @!p0 $0x80;
	s18 =	simm.s32 @!p0 $0x1900;
	s21 =	sadd.s32 @!p0 $0x280, s5  }
0x45: {  	[tilespmem:s18], [sflag:$0x1] =	stream.indirect.gather @!p0 [hbm4b:s2+s20], $0x80, s21, s20, $0xb8;
	[tilespmem:$0x15900] =	vst v63  }
0x46: {  	s18 =	simm.s32 @!p0 $0x2  }
0x47: {  	_ =	swait.ge @!p0 [sflag:s18], $0x4000  }
0x48: {  	s17 =	simm.s32 @!p0 $0x7;
	[sflag:s18] =	ssyncset.done @!p0 $0x0  }
0x49: {  	s21 =	simm.s32 @!p0 $0x5900;
	[sflag:s18] =	ssyncadd.s32 @!p0 $0xFFFFC000;
	s18 =	simm.s32 @!p0 $0x0  }
0x4a: {  	[hbm4b:s11+s18] =	stream.linear.scatter @!p0 [tilespmem:s21], [sflag:$0x7], $0x4000, $0x38;
	[tilespmem:$0x15900] =	vst v63  }
0x4b: {  	_ =	swait.ge @!p0 [sflag:s17], $0x4000  }
0x4c: {  	[sflag:s17] =	ssyncset.done @!p0 $0x0  }
0x4d: {  	[sflag:s17] =	ssyncadd.s32 @!p0 $0xFFFFC000;
	s17 =	sadd.s32 @!p0 $0x300, s5  }
0x4e: {  	[tilespmem:s21], [sflag:$0x2] =	stream.indirect.gather @!p0 [hbm4b:s2+s20], $0x80, s17, s20, $0xb8;
	[tilespmem:$0x15900] =	vst v63  }
0x4f: {  	_ =	swait.ge [sflag:s25], $0x4000  }
0x50: {  	[sflag:s25] =	ssyncset.done $0x0  }
0x51: {  	s17 =	simm.s32 @p0 $0x4;
	[sflag:s25] =	ssyncadd.s32 $0xFFFFC000  }
0x52: {  	[hbm4b:s10+s3] =	stream.linear.scatter [tilespmem:s19], [sflag:$0x8], $0x4000, $0x38;
	[tilespmem:$0x15900] =	vst v63  }
0x53: {  	_ =	swait.ge @p0 [sflag:s17], $0x4000  }
0x54: {  	[sflag:s17] =	ssyncset.done @p0 $0x0  }
0x55: {  	[sflag:s17] =	ssyncadd.s32 @p0 $0xFFFFC000;
	s17 =	simm.s32 @p0 $0xD900  }
0x56: {  	[hbm4b:s7+s4] =	stream.linear.scatter @p0 [tilespmem:s17], [sflag:$0x9], $0x4000, $0x38;
	[tilespmem:$0x15900] =	vst v63  }
0x57: {  	s4 =	simm.s32 @!p0 $0x8  }
0x58: {  	_ =	swait.ge @!p0 [sflag:s4], $0x4000  }
0x59: {  	[sflag:s4] =	ssyncset.done @!p0 $0x0  }
0x5a: {  	s17 =	simm.s32 @!p0 $0x9900;
	[sflag:s4] =	ssyncadd.s32 @!p0 $0xFFFFC000;
	s4 =	sadd.s32 @!p0 $0x380, s5  }
0x5b: {  	[tilespmem:s17], [sflag:$0x3] =	stream.indirect.gather @!p0 [hbm4b:s2+s20], $0x80, s4, s20, $0xb8;
	[tilespmem:$0x15900] =	vst v63  }
0x5c: {  	s4 =	simm.s32 @!p0 $0x4  }
0x5d: {  	_ =	swait.ge @!p0 [sflag:s4], $0x4000  }
0x5e: {  	[sflag:s4] =	ssyncset.done @!p0 $0x0  }
0x5f: {  	s17 =	simm.s32 @!p0 $0x9;
	[sflag:s4] =	ssyncadd.s32 @!p0 $0xFFFFC000;
	s4 =	simm.s32 @!p0 $0xD900  }
0x60: {  	[hbm4b:s9+s18] =	stream.linear.scatter @!p0 [tilespmem:s4], [sflag:$0x9], $0x4000, $0x38;
	[tilespmem:$0x15900] =	vst v63  }
0x61: {  	_ =	swait.ge @!p0 [sflag:s17], $0x4000  }
0x62: {  	[sflag:s17] =	ssyncset.done @!p0 $0x0  }
0x63: {  	s5 =	sadd.s32 @!p0 $0x400, s5;
	[sflag:s17] =	ssyncadd.s32 @!p0 $0xFFFFC000  }
0x64: {  	[tilespmem:s4], [sflag:$0x4] =	stream.indirect.gather @!p0 [hbm4b:s2+s20], $0x80, s5, s20, $0xb8;
	[tilespmem:$0x15900] =	vst v63  }
.Ltmp2:
0x65: {  	_ = 	snop;
	(pc) =	sbr.rel @p0 .LBB2_4-.Ltmp2, $4  }
0x66: {  	_ =	swait.ge [sflag:s26], $0x4000  }
0x67: {  	[sflag:s26] =	ssyncset.done $0x0  }
0x68: {  	[sflag:s26] =	ssyncadd.s32 $0xFFFFC000  }
0x69: {  	[hbm4b:s8+s3] =	stream.linear.scatter [tilespmem:s23], [sflag:$0xA], $0x4000, $0x38;
	[tilespmem:$0x15900] =	vst v63  }
.Ltmp3:
0x6a: {  	_ =	swait.ge [sflag:s1], $0x4000;
	s4 =	sshra.s32 s22, $0x2;
	(pc) =	sbr.rel .LBB2_2-.Ltmp3, $4  }
0x6b: {  	s22 =	sadd.s32 $0xA00, s22;
	s8 =	sadd.s32 $0x50000, s8;
	s9 =	sadd.s32 $0x50000, s9  }
0x6c: {  	s10 =	sadd.s32 $0x50000, s10;
	s11 =	sadd.s32 $0x50000, s11;
	[sflag:s1] =	ssyncset.done $0x0  }
0x6d: {  	s12 =	sadd.s32 $0x50000, s12;
	s4 =	sadd.s32 $0x480, s4;
	[sflag:s1] =	ssyncadd.s32 $0xFFFFC000  }
0x6e: {  	[tilespmem:s23], [sflag:$0x5] =	stream.indirect.gather [hbm4b:s2+s13], $0x80, s4, s13, $0xb8;
	[tilespmem:$0x15900] =	vst v63  }
.LBB2_5:
0x6f: {  	_ =	sfence.sel $0x180000  }
0x70: {  	[bflag:$0x0] =	sbarrier.arrive $0xFFFF  }
0x71: {  	_ =	strace $0x90000047  }
0x72: {  	s0 =	stileid.u32;
	[bflag:$0x2] =	sbarrier.arrive $0xFFFF  }
0x73: {  	p0 =	sne.s32 s0, $0x0;
	s0 =	rddreg [dreg:$0x3]  }
0x74: {  	s0 =	sadd.s32 @!p0 $0x100000, s0  }
0x75: {  	[sflag:s0] =	ssyncadd.tile.s32 @!p0 $0x1;
	_ =	shalt  }
.Lfunc_end2:
_tile_overlayer_lowered:
.L_overlay_start_2:
0x76: {  	(tag) =	ssettag $0x2  }
0x77: {  	s0 =	rddreg [dreg:$0x0];
	s2 =	stileid.u32  }
0x78: {  	s1 =	rddreg [dreg:$0x1];
	p0 =	sne.s32 s2, $0x0  }
0x79: {  	s3 =	rddreg [dreg:$0x2];
	[bflag:$0x3] =	sbarrier.arrive $0xFFFF;
	s2 =	simm.s32 @!p0 $0x1C0B  }
0x7a: {  	[timem:s3], [sflag:s2] =	dma.local @!p0 [hbm:s0], s1  }
0x7b: {  	s0 =	simm.s32 @!p0 $0xB  }
0x7c: {  	_ =	swait.ge @!p0 [sflag:s0], s1  }
0x7d: {  	s1 =	ssub.s32 @!p0 $0x0, s1;
	[sflag:s0] =	ssyncset.done @!p0 $0x0  }
0x7e: {  	[sflag:s0] =	ssyncadd.s32 @!p0 s1  }
0x7f: {  	[bflag:$0x3] =	sbarrier.arrive $0xFFFF  }
0x80: {  	_ =	shalt  }

</sc_bundles>
